<compile_context>
chip_gen: v7x
topology: tpu7x:2x2x1
jax: 0.10.2.dev20260603
libtpu: 0.0.44.dev20260713+nightly
codegen_flags: <defaults>
</compile_context>

<pallas_src>
import functools

import jax
import jax.numpy as jnp
from jax import lax
from jax.experimental import pallas as pl
from jax.experimental.pallas import tpu as pltpu
from jax.experimental.pallas import tpu_sc as plsc

DIM = 64
SC_ROWS = 128
TC_BLOCK_ROWS = 16


def _sc_part(pe_padded, seq_len, dim):
    table_rows = pe_padded.shape[0]
    info = plsc.get_sparse_core_info()
    num_cores, num_subcores = info.num_cores, info.num_subcores
    num_workers = num_cores * num_subcores
    rows_per_worker = SC_ROWS // num_workers

    mesh = plsc.VectorSubcoreMesh(core_axis_name="c", subcore_axis_name="s")

    @functools.partial(
        pl.kernel,
        mesh=mesh,
        out_type=jax.ShapeDtypeStruct((SC_ROWS, seq_len, dim), jnp.float32),
        scratch_types=[
            pltpu.VMEM_SHARED((table_rows, dim), jnp.float32),
            pltpu.SemaphoreType.DMA,
        ],
    )
    def k(pe_hbm, out_hbm, pe_sh, sem):
        c = lax.axis_index("c")
        s = lax.axis_index("s")

        @pl.when(s == 0)
        def _():
            pltpu.sync_copy(pe_hbm, pe_sh)

        plsc.subcore_barrier()

        base = (c * num_subcores + s) * rows_per_worker

        def copy_desc(i):
            start = (seq_len - 1) - i
            return pltpu.make_async_copy(
                pe_sh.at[pl.ds(start, seq_len), :], out_hbm.at[i], sem
            )

        for b in range(rows_per_worker):
            copy_desc(base + b).start()
        for b in range(rows_per_worker):
            copy_desc(base + b).wait()

    return k(pe_padded)


def _tc_part(pe8, seq_len, dim):
    rb = TC_BLOCK_ROWS
    tc_rows = seq_len - SC_ROWS

    def body(pe8_ref, out_ref):
        b = pl.program_id(0) + SC_ROWS // rb
        q8 = pl.multiple_of(rb * (seq_len // rb - 1 - b), 8)
        for r in range(rb):
            rem = rb - 1 - r
            out_ref[r] = pe8_ref[rem % 8, pl.ds(q8 + 8 * (rem // 8), seq_len), :]

    return pl.pallas_call(
        body,
        grid=(tc_rows // rb,),
        in_specs=[
            pl.BlockSpec((pe8.shape[0], pe8.shape[1], dim), lambda i: (0, 0, 0)),
        ],
        out_specs=pl.BlockSpec((rb, seq_len, dim), lambda i: (i + SC_ROWS // rb, 0, 0)),
        out_shape=jax.ShapeDtypeStruct((seq_len, seq_len, dim), jnp.float32),
    )(pe8)


def kernel(x, pe):
    seq_len = x.shape[2]
    pe_padded = jnp.pad(pe, ((0, 1), (0, 0)))
    pe_wide = jnp.pad(pe, ((0, 2 * seq_len + 8 - pe.shape[0]), (0, 0)))
    pe8 = jnp.stack([pe_wide[m : m + 2 * seq_len] for m in range(8)])
    tc_out = _tc_part(pe8, seq_len, DIM)
    sc_out = _sc_part(pe_padded, seq_len, DIM)
    return lax.dynamic_update_slice(tc_out, sc_out, (0, 0, 0))

# --- scband reference (transcript-rebuilt; emitter-appended) ---
"""Pipeline reference for scband-relative-position-encoding-63496796504567 (READ-ONLY COPY).

The authoritative reference and input builder live on the scoring server;
editing this copy changes nothing except your own understanding.
"""

import jax, jax.numpy as jnp
import numpy as np
import math

DIM = 64
MAX_LEN = 2048

def _build_pe(dim, max_len):
    position = jnp.arange(2 * max_len - 1, dtype=jnp.float32)[:, None]
    div_term = jnp.exp(jnp.arange(0, dim, 2, dtype=jnp.float32) * -math.log(10000.0 / dim))
    pe = jnp.zeros((2 * max_len - 1, dim), dtype=jnp.float32)
    pe = pe.at[:, 0::2].set(jnp.sin(position * div_term))
    pe = pe.at[:, 1::2].set(jnp.cos(position * div_term))
    return pe

def setup_inputs(seed: int = 0) -> dict:
    key = jax.random.key(seed)
    x = jax.random.normal(jax.random.fold_in(key, 0), (2, 16, 2048, DIM), dtype=jnp.float32)
    pe = _build_pe(DIM, MAX_LEN)
    return {"x": x, "pe": pe}

def reference(x, pe):
    # x: [bs, num_heads, seq_len, d]; only seq_len (static shape) is used
    seq_len = x.shape[2]
    rel_pos = jnp.arange(seq_len)[None, :] - jnp.arange(seq_len)[:, None]
    rel_pos = rel_pos + (seq_len - 1)
    # gather: pe[rel_pos] -> [seq_len, seq_len, dim]
    rel_pos_enc = jnp.take(pe, rel_pos, axis=0)
    return rel_pos_enc

if __name__ == "__main__":
    import jax
    _d = setup_inputs()
    print(jax.jit(kernel)(*tuple(_d.values())))

</pallas_src>

<mosaic_0001>
#map = affine_map<(d0, d1) -> (0, 0)>
#map1 = affine_map<(d0, d1) -> (0, 0, 0)>
module attributes {stable_mosaic.version = 14 : i64} {
  func.func @k(%arg0: i32, %arg1: i32, %arg2: memref<4096x64xf32, #tpu.memory_space<hbm>>, %arg3: memref<128x2048x64xf32, #tpu.memory_space<hbm>>, %arg4: memref<4096x64xf32, #tpu.memory_space<vmem_shared>>, %arg5: memref<!tpu.dma_semaphore, #tpu.memory_space<semaphore_mem>>) attributes {dimension_semantics = [#tpu.dimension_semantics<core_parallel>, #tpu.dimension_semantics<subcore_parallel>], iteration_bounds = array<i64: 2, 16>, scalar_prefetch = 0 : i64, scratch_operands = 2 : i64, tpu.core_type = #tpu.core_type<sc_vector_subcore>, window_params = [{transform_indices = #map}, {transform_indices = #map1}]} {
    %eq3A = arith.constant 0 : i32
    %eq3A_0 = arith.cmpi eq, %arg1, %eq3A : i32
    %convert_element_type3A = arith.extui %eq3A_0 : i1 to i32
    %cond3A = arith.constant 0 : i32
    %cond3A_1 = arith.cmpi ne, %convert_element_type3A, %cond3A : i32
    scf.if %cond3A_1 {
      "tpu.region"() ({
        %run_scoped3A = tpu.sem_alloc : memref<!tpu.dma_semaphore, #tpu.memory_space<semaphore_mem>>
        tpu.enqueue_dma source(%arg2 : memref<4096x64xf32, #tpu.memory_space<hbm>>) target(%arg4 : memref<4096x64xf32, #tpu.memory_space<vmem_shared>>) target_semaphore(%run_scoped3A : memref<!tpu.dma_semaphore, #tpu.memory_space<semaphore_mem>>)
        tpu.wait_dma2 semaphore(%run_scoped3A : memref<!tpu.dma_semaphore, #tpu.memory_space<semaphore_mem>>) src(%arg2 : memref<4096x64xf32, #tpu.memory_space<hbm>>) dst(%arg4 : memref<4096x64xf32, #tpu.memory_space<vmem_shared>>)
        tpu.yield
      }) : () -> ()
    } else {
    }
    %barrier3A = arith.constant 0 : index
    tpu.barrier barrier_id(%barrier3A)
    %mul3A = arith.constant 16 : i32
    %mul3A_2 = arith.muli %arg0, %mul3A : i32
    %add3A = arith.addi %mul3A_2, %arg1 : i32
    %mul3A_3 = arith.constant 4 : i32
    %mul3A_4 = arith.muli %add3A, %mul3A_3 : i32
    %add3A_5 = arith.constant 0 : i32
    %add3A_6 = arith.addi %mul3A_4, %add3A_5 : i32
    %sub3A = arith.constant 2047 : i32
    %sub3A_7 = arith.subi %sub3A, %add3A_6 : i32
    %dma_start3A = arith.constant 0 : i32
    %dma_start3A_8 = arith.constant 0 : i32
    %dma_start3A_9 = tpu.memref_slice %arg3[%add3A_6, %dma_start3A, %dma_start3A_8] : memref<128x2048x64xf32, #tpu.memory_space<hbm>> -> memref<1x2048x64xf32, #tpu.memory_space<hbm>>
    %dma_start3A_10 = tpu.memref_squeeze %dma_start3A_9 : memref<1x2048x64xf32, #tpu.memory_space<hbm>> -> memref<2048x64xf32, #tpu.memory_space<hbm>>
    %dma_start3A_11 = arith.constant 0 : i32
    %dma_start3A_12 = tpu.memref_slice %arg4[%sub3A_7, %dma_start3A_11] : memref<4096x64xf32, #tpu.memory_space<vmem_shared>> -> memref<2048x64xf32, #tpu.memory_space<vmem_shared>>
    tpu.enqueue_dma source(%dma_start3A_12 : memref<2048x64xf32, #tpu.memory_space<vmem_shared>>) target(%dma_start3A_10 : memref<2048x64xf32, #tpu.memory_space<hbm>>) target_semaphore(%arg5 : memref<!tpu.dma_semaphore, #tpu.memory_space<semaphore_mem>>)
    %add3A_13 = arith.constant 1 : i32
    %add3A_14 = arith.addi %mul3A_4, %add3A_13 : i32
    %sub3A_15 = arith.constant 2047 : i32
    %sub3A_16 = arith.subi %sub3A_15, %add3A_14 : i32
    %dma_start3A_17 = arith.constant 0 : i32
    %dma_start3A_18 = arith.constant 0 : i32
    %dma_start3A_19 = tpu.memref_slice %arg3[%add3A_14, %dma_start3A_17, %dma_start3A_18] : memref<128x2048x64xf32, #tpu.memory_space<hbm>> -> memref<1x2048x64xf32, #tpu.memory_space<hbm>>
    %dma_start3A_20 = tpu.memref_squeeze %dma_start3A_19 : memref<1x2048x64xf32, #tpu.memory_space<hbm>> -> memref<2048x64xf32, #tpu.memory_space<hbm>>
    %dma_start3A_21 = arith.constant 0 : i32
    %dma_start3A_22 = tpu.memref_slice %arg4[%sub3A_16, %dma_start3A_21] : memref<4096x64xf32, #tpu.memory_space<vmem_shared>> -> memref<2048x64xf32, #tpu.memory_space<vmem_shared>>
    tpu.enqueue_dma source(%dma_start3A_22 : memref<2048x64xf32, #tpu.memory_space<vmem_shared>>) target(%dma_start3A_20 : memref<2048x64xf32, #tpu.memory_space<hbm>>) target_semaphore(%arg5 : memref<!tpu.dma_semaphore, #tpu.memory_space<semaphore_mem>>)
    %add3A_23 = arith.constant 2 : i32
    %add3A_24 = arith.addi %mul3A_4, %add3A_23 : i32
    %sub3A_25 = arith.constant 2047 : i32
    %sub3A_26 = arith.subi %sub3A_25, %add3A_24 : i32
    %dma_start3A_27 = arith.constant 0 : i32
    %dma_start3A_28 = arith.constant 0 : i32
    %dma_start3A_29 = tpu.memref_slice %arg3[%add3A_24, %dma_start3A_27, %dma_start3A_28] : memref<128x2048x64xf32, #tpu.memory_space<hbm>> -> memref<1x2048x64xf32, #tpu.memory_space<hbm>>
    %dma_start3A_30 = tpu.memref_squeeze %dma_start3A_29 : memref<1x2048x64xf32, #tpu.memory_space<hbm>> -> memref<2048x64xf32, #tpu.memory_space<hbm>>
    %dma_start3A_31 = arith.constant 0 : i32
    %dma_start3A_32 = tpu.memref_slice %arg4[%sub3A_26, %dma_start3A_31] : memref<4096x64xf32, #tpu.memory_space<vmem_shared>> -> memref<2048x64xf32, #tpu.memory_space<vmem_shared>>
    tpu.enqueue_dma source(%dma_start3A_32 : memref<2048x64xf32, #tpu.memory_space<vmem_shared>>) target(%dma_start3A_30 : memref<2048x64xf32, #tpu.memory_space<hbm>>) target_semaphore(%arg5 : memref<!tpu.dma_semaphore, #tpu.memory_space<semaphore_mem>>)
    %add3A_33 = arith.constant 3 : i32
    %add3A_34 = arith.addi %mul3A_4, %add3A_33 : i32
    %sub3A_35 = arith.constant 2047 : i32
    %sub3A_36 = arith.subi %sub3A_35, %add3A_34 : i32
    %dma_start3A_37 = arith.constant 0 : i32
    %dma_start3A_38 = arith.constant 0 : i32
    %dma_start3A_39 = tpu.memref_slice %arg3[%add3A_34, %dma_start3A_37, %dma_start3A_38] : memref<128x2048x64xf32, #tpu.memory_space<hbm>> -> memref<1x2048x64xf32, #tpu.memory_space<hbm>>
    %dma_start3A_40 = tpu.memref_squeeze %dma_start3A_39 : memref<1x2048x64xf32, #tpu.memory_space<hbm>> -> memref<2048x64xf32, #tpu.memory_space<hbm>>
    %dma_start3A_41 = arith.constant 0 : i32
    %dma_start3A_42 = tpu.memref_slice %arg4[%sub3A_36, %dma_start3A_41] : memref<4096x64xf32, #tpu.memory_space<vmem_shared>> -> memref<2048x64xf32, #tpu.memory_space<vmem_shared>>
    tpu.enqueue_dma source(%dma_start3A_42 : memref<2048x64xf32, #tpu.memory_space<vmem_shared>>) target(%dma_start3A_40 : memref<2048x64xf32, #tpu.memory_space<hbm>>) target_semaphore(%arg5 : memref<!tpu.dma_semaphore, #tpu.memory_space<semaphore_mem>>)
    %add3A_43 = arith.constant 0 : i32
    %add3A_44 = arith.addi %mul3A_4, %add3A_43 : i32
    %sub3A_45 = arith.constant 2047 : i32
    %sub3A_46 = arith.subi %sub3A_45, %add3A_44 : i32
    %dma_wait3A = arith.constant 0 : i32
    %dma_wait3A_47 = arith.constant 0 : i32
    %dma_wait3A_48 = tpu.memref_slice %arg3[%add3A_44, %dma_wait3A, %dma_wait3A_47] : memref<128x2048x64xf32, #tpu.memory_space<hbm>> -> memref<1x2048x64xf32, #tpu.memory_space<hbm>>
    %dma_wait3A_49 = tpu.memref_squeeze %dma_wait3A_48 : memref<1x2048x64xf32, #tpu.memory_space<hbm>> -> memref<2048x64xf32, #tpu.memory_space<hbm>>
    %dma_wait3A_50 = arith.constant 0 : i32
    %dma_wait3A_51 = tpu.memref_slice %arg4[%sub3A_46, %dma_wait3A_50] : memref<4096x64xf32, #tpu.memory_space<vmem_shared>> -> memref<2048x64xf32, #tpu.memory_space<vmem_shared>>
    tpu.wait_dma2 semaphore(%arg5 : memref<!tpu.dma_semaphore, #tpu.memory_space<semaphore_mem>>) src(%dma_wait3A_51 : memref<2048x64xf32, #tpu.memory_space<vmem_shared>>) dst(%dma_wait3A_49 : memref<2048x64xf32, #tpu.memory_space<hbm>>)
    %add3A_52 = arith.constant 1 : i32
    %add3A_53 = arith.addi %mul3A_4, %add3A_52 : i32
    %sub3A_54 = arith.constant 2047 : i32
    %sub3A_55 = arith.subi %sub3A_54, %add3A_53 : i32
    %dma_wait3A_56 = arith.constant 0 : i32
    %dma_wait3A_57 = arith.constant 0 : i32
    %dma_wait3A_58 = tpu.memref_slice %arg3[%add3A_53, %dma_wait3A_56, %dma_wait3A_57] : memref<128x2048x64xf32, #tpu.memory_space<hbm>> -> memref<1x2048x64xf32, #tpu.memory_space<hbm>>
    %dma_wait3A_59 = tpu.memref_squeeze %dma_wait3A_58 : memref<1x2048x64xf32, #tpu.memory_space<hbm>> -> memref<2048x64xf32, #tpu.memory_space<hbm>>
    %dma_wait3A_60 = arith.constant 0 : i32
    %dma_wait3A_61 = tpu.memref_slice %arg4[%sub3A_55, %dma_wait3A_60] : memref<4096x64xf32, #tpu.memory_space<vmem_shared>> -> memref<2048x64xf32, #tpu.memory_space<vmem_shared>>
    tpu.wait_dma2 semaphore(%arg5 : memref<!tpu.dma_semaphore, #tpu.memory_space<semaphore_mem>>) src(%dma_wait3A_61 : memref<2048x64xf32, #tpu.memory_space<vmem_shared>>) dst(%dma_wait3A_59 : memref<2048x64xf32, #tpu.memory_space<hbm>>)
    %add3A_62 = arith.constant 2 : i32
    %add3A_63 = arith.addi %mul3A_4, %add3A_62 : i32
    %sub3A_64 = arith.constant 2047 : i32
    %sub3A_65 = arith.subi %sub3A_64, %add3A_63 : i32
    %dma_wait3A_66 = arith.constant 0 : i32
    %dma_wait3A_67 = arith.constant 0 : i32
    %dma_wait3A_68 = tpu.memref_slice %arg3[%add3A_63, %dma_wait3A_66, %dma_wait3A_67] : memref<128x2048x64xf32, #tpu.memory_space<hbm>> -> memref<1x2048x64xf32, #tpu.memory_space<hbm>>
    %dma_wait3A_69 = tpu.memref_squeeze %dma_wait3A_68 : memref<1x2048x64xf32, #tpu.memory_space<hbm>> -> memref<2048x64xf32, #tpu.memory_space<hbm>>
    %dma_wait3A_70 = arith.constant 0 : i32
    %dma_wait3A_71 = tpu.memref_slice %arg4[%sub3A_65, %dma_wait3A_70] : memref<4096x64xf32, #tpu.memory_space<vmem_shared>> -> memref<2048x64xf32, #tpu.memory_space<vmem_shared>>
    tpu.wait_dma2 semaphore(%arg5 : memref<!tpu.dma_semaphore, #tpu.memory_space<semaphore_mem>>) src(%dma_wait3A_71 : memref<2048x64xf32, #tpu.memory_space<vmem_shared>>) dst(%dma_wait3A_69 : memref<2048x64xf32, #tpu.memory_space<hbm>>)
    %add3A_72 = arith.constant 3 : i32
    %add3A_73 = arith.addi %mul3A_4, %add3A_72 : i32
    %sub3A_74 = arith.constant 2047 : i32
    %sub3A_75 = arith.subi %sub3A_74, %add3A_73 : i32
    %dma_wait3A_76 = arith.constant 0 : i32
    %dma_wait3A_77 = arith.constant 0 : i32
    %dma_wait3A_78 = tpu.memref_slice %arg3[%add3A_73, %dma_wait3A_76, %dma_wait3A_77] : memref<128x2048x64xf32, #tpu.memory_space<hbm>> -> memref<1x2048x64xf32, #tpu.memory_space<hbm>>
    %dma_wait3A_79 = tpu.memref_squeeze %dma_wait3A_78 : memref<1x2048x64xf32, #tpu.memory_space<hbm>> -> memref<2048x64xf32, #tpu.memory_space<hbm>>
    %dma_wait3A_80 = arith.constant 0 : i32
    %dma_wait3A_81 = tpu.memref_slice %arg4[%sub3A_75, %dma_wait3A_80] : memref<4096x64xf32, #tpu.memory_space<vmem_shared>> -> memref<2048x64xf32, #tpu.memory_space<vmem_shared>>
    tpu.wait_dma2 semaphore(%arg5 : memref<!tpu.dma_semaphore, #tpu.memory_space<semaphore_mem>>) src(%dma_wait3A_81 : memref<2048x64xf32, #tpu.memory_space<vmem_shared>>) dst(%dma_wait3A_79 : memref<2048x64xf32, #tpu.memory_space<hbm>>)
    return
  }
}

module attributes {stable_mosaic.version = 14 : i64} {
  func.func @body(%arg0: i32, %arg1: memref<8x4096x64xf32, #tpu.memory_space<vmem>>, %arg2: memref<16x2048x64xf32, #tpu.memory_space<vmem>>) attributes {dimension_semantics = [#tpu.dimension_semantics<arbitrary>], iteration_bounds = array<i64: 120>, scalar_prefetch = 0 : i64, scratch_operands = 0 : i64, tpu.core_type = #tpu.core_type<tc>, window_params = [{pipeline_mode = #tpu.pipeline_mode<synchronous>, transform_indices = @transform_0, window_bounds = array<i64: 8, 4096, 64>}, {transform_indices = @transform_1, window_bounds = array<i64: 16, 2048, 64>}]} {
    %add3A = arith.constant 8 : i32
    %add3A_0 = arith.addi %arg0, %add3A : i32
    %sub3A = arith.constant 127 : i32
    %sub3A_1 = arith.subi %sub3A, %add3A_0 : i32
    %mul3A = arith.constant 16 : i32
    %mul3A_2 = arith.muli %mul3A, %sub3A_1 : i32
    %multiple_of3A = tpu.assume_multiple %mul3A_2, 8 : i32
    %add3A_3 = arith.constant 8 : i32
    %add3A_4 = arith.addi %multiple_of3A, %add3A_3 : i32
    %get3A = arith.constant 7 : index
    %get3A_5 = arith.index_cast %add3A_4 : i32 to index
    %get3A_6 = arith.constant 0 : index
    %get3A_7 = vector.load %arg1[%get3A, %get3A_5, %get3A_6] : memref<8x4096x64xf32, #tpu.memory_space<vmem>>, vector<1x2048x64xf32>
    %get3A_8 = vector.shape_cast %get3A_7 : vector<1x2048x64xf32> to vector<2048x64xf32>
    %swap3A = arith.constant 0 : index
    %swap3A_9 = arith.constant 0 : index
    %swap3A_10 = arith.constant 0 : index
    %swap3A_11 = vector.load %arg2[%swap3A, %swap3A_9, %swap3A_10] : memref<16x2048x64xf32, #tpu.memory_space<vmem>>, vector<1x2048x64xf32>
    %swap3A_12 = vector.shape_cast %swap3A_11 : vector<1x2048x64xf32> to vector<2048x64xf32>
    %swap3A_13 = vector.shape_cast %get3A_8 : vector<2048x64xf32> to vector<1x2048x64xf32>
    tpu.vector_store %arg2[%swap3A, %swap3A_9, %swap3A_10], %swap3A_13 {strides = array<i32>} : memref<16x2048x64xf32, #tpu.memory_space<vmem>>, vector<1x2048x64xf32>,
    %add3A_14 = arith.constant 8 : i32
    %add3A_15 = arith.addi %multiple_of3A, %add3A_14 : i32
    %get3A_16 = arith.constant 6 : index
    %get3A_17 = arith.index_cast %add3A_15 : i32 to index
    %get3A_18 = arith.constant 0 : index
    %get3A_19 = vector.load %arg1[%get3A_16, %get3A_17, %get3A_18] : memref<8x4096x64xf32, #tpu.memory_space<vmem>>, vector<1x2048x64xf32>
    %get3A_20 = vector.shape_cast %get3A_19 : vector<1x2048x64xf32> to vector<2048x64xf32>
    %swap3A_21 = arith.constant 1 : index
    %swap3A_22 = arith.constant 0 : index
    %swap3A_23 = arith.constant 0 : index
    %swap3A_24 = vector.load %arg2[%swap3A_21, %swap3A_22, %swap3A_23] : memref<16x2048x64xf32, #tpu.memory_space<vmem>>, vector<1x2048x64xf32>
    %swap3A_25 = vector.shape_cast %swap3A_24 : vector<1x2048x64xf32> to vector<2048x64xf32>
    %swap3A_26 = vector.shape_cast %get3A_20 : vector<2048x64xf32> to vector<1x2048x64xf32>
    tpu.vector_store %arg2[%swap3A_21, %swap3A_22, %swap3A_23], %swap3A_26 {strides = array<i32>} : memref<16x2048x64xf32, #tpu.memory_space<vmem>>, vector<1x2048x64xf32>,
    %add3A_27 = arith.constant 8 : i32
    %add3A_28 = arith.addi %multiple_of3A, %add3A_27 : i32
    %get3A_29 = arith.constant 5 : index
    %get3A_30 = arith.index_cast %add3A_28 : i32 to index
    %get3A_31 = arith.constant 0 : index
    %get3A_32 = vector.load %arg1[%get3A_29, %get3A_30, %get3A_31] : memref<8x4096x64xf32, #tpu.memory_space<vmem>>, vector<1x2048x64xf32>
    %get3A_33 = vector.shape_cast %get3A_32 : vector<1x2048x64xf32> to vector<2048x64xf32>
    %swap3A_34 = arith.constant 2 : index
    %swap3A_35 = arith.constant 0 : index
    %swap3A_36 = arith.constant 0 : index
    %swap3A_37 = vector.load %arg2[%swap3A_34, %swap3A_35, %swap3A_36] : memref<16x2048x64xf32, #tpu.memory_space<vmem>>, vector<1x2048x64xf32>
    %swap3A_38 = vector.shape_cast %swap3A_37 : vector<1x2048x64xf32> to vector<2048x64xf32>
    %swap3A_39 = vector.shape_cast %get3A_33 : vector<2048x64xf32> to vector<1x2048x64xf32>
    tpu.vector_store %arg2[%swap3A_34, %swap3A_35, %swap3A_36], %swap3A_39 {strides = array<i32>} : memref<16x2048x64xf32, #tpu.memory_space<vmem>>, vector<1x2048x64xf32>,
    %add3A_40 = arith.constant 8 : i32
    %add3A_41 = arith.addi %multiple_of3A, %add3A_40 : i32
    %get3A_42 = arith.constant 4 : index
    %get3A_43 = arith.index_cast %add3A_41 : i32 to index
    %get3A_44 = arith.constant 0 : index
    %get3A_45 = vector.load %arg1[%get3A_42, %get3A_43, %get3A_44] : memref<8x4096x64xf32, #tpu.memory_space<vmem>>, vector<1x2048x64xf32>
    %get3A_46 = vector.shape_cast %get3A_45 : vector<1x2048x64xf32> to vector<2048x64xf32>
    %swap3A_47 = arith.constant 3 : index
    %swap3A_48 = arith.constant 0 : index
    %swap3A_49 = arith.constant 0 : index
    %swap3A_50 = vector.load %arg2[%swap3A_47, %swap3A_48, %swap3A_49] : memref<16x2048x64xf32, #tpu.memory_space<vmem>>, vector<1x2048x64xf32>
    %swap3A_51 = vector.shape_cast %swap3A_50 : vector<1x2048x64xf32> to vector<2048x64xf32>
    %swap3A_52 = vector.shape_cast %get3A_46 : vector<2048x64xf32> to vector<1x2048x64xf32>
    tpu.vector_store %arg2[%swap3A_47, %swap3A_48, %swap3A_49], %swap3A_52 {strides = array<i32>} : memref<16x2048x64xf32, #tpu.memory_space<vmem>>, vector<1x2048x64xf32>,
    %add3A_53 = arith.constant 8 : i32
    %add3A_54 = arith.addi %multiple_of3A, %add3A_53 : i32
    %get3A_55 = arith.constant 3 : index
    %get3A_56 = arith.index_cast %add3A_54 : i32 to index
    %get3A_57 = arith.constant 0 : index
    %get3A_58 = vector.load %arg1[%get3A_55, %get3A_56, %get3A_57] : memref<8x4096x64xf32, #tpu.memory_space<vmem>>, vector<1x2048x64xf32>
    %get3A_59 = vector.shape_cast %get3A_58 : vector<1x2048x64xf32> to vector<2048x64xf32>
    %swap3A_60 = arith.constant 4 : index
    %swap3A_61 = arith.constant 0 : index
    %swap3A_62 = arith.constant 0 : index
    %swap3A_63 = vector.load %arg2[%swap3A_60, %swap3A_61, %swap3A_62] : memref<16x2048x64xf32, #tpu.memory_space<vmem>>, vector<1x2048x64xf32>
    %swap3A_64 = vector.shape_cast %swap3A_63 : vector<1x2048x64xf32> to vector<2048x64xf32>
    %swap3A_65 = vector.shape_cast %get3A_59 : vector<2048x64xf32> to vector<1x2048x64xf32>
    tpu.vector_store %arg2[%swap3A_60, %swap3A_61, %swap3A_62], %swap3A_65 {strides = array<i32>} : memref<16x2048x64xf32, #tpu.memory_space<vmem>>, vector<1x2048x64xf32>,
    %add3A_66 = arith.constant 8 : i32
    %add3A_67 = arith.addi %multiple_of3A, %add3A_66 : i32
    %get3A_68 = arith.constant 2 : index
    %get3A_69 = arith.index_cast %add3A_67 : i32 to index
    %get3A_70 = arith.constant 0 : index
    %get3A_71 = vector.load %arg1[%get3A_68, %get3A_69, %get3A_70] : memref<8x4096x64xf32, #tpu.memory_space<vmem>>, vector<1x2048x64xf32>
    %get3A_72 = vector.shape_cast %get3A_71 : vector<1x2048x64xf32> to vector<2048x64xf32>
    %swap3A_73 = arith.constant 5 : index
    %swap3A_74 = arith.constant 0 : index
    %swap3A_75 = arith.constant 0 : index
    %swap3A_76 = vector.load %arg2[%swap3A_73, %swap3A_74, %swap3A_75] : memref<16x2048x64xf32, #tpu.memory_space<vmem>>, vector<1x2048x64xf32>
    %swap3A_77 = vector.shape_cast %swap3A_76 : vector<1x2048x64xf32> to vector<2048x64xf32>
    %swap3A_78 = vector.shape_cast %get3A_72 : vector<2048x64xf32> to vector<1x2048x64xf32>
    tpu.vector_store %arg2[%swap3A_73, %swap3A_74, %swap3A_75], %swap3A_78 {strides = array<i32>} : memref<16x2048x64xf32, #tpu.memory_space<vmem>>, vector<1x2048x64xf32>,
    %add3A_79 = arith.constant 8 : i32
    %add3A_80 = arith.addi %multiple_of3A, %add3A_79 : i32
    %get3A_81 = arith.constant 1 : index
    %get3A_82 = arith.index_cast %add3A_80 : i32 to index
    %get3A_83 = arith.constant 0 : index
    %get3A_84 = vector.load %arg1[%get3A_81, %get3A_82, %get3A_83] : memref<8x4096x64xf32, #tpu.memory_space<vmem>>, vector<1x2048x64xf32>
    %get3A_85 = vector.shape_cast %get3A_84 : vector<1x2048x64xf32> to vector<2048x64xf32>
    %swap3A_86 = arith.constant 6 : index
    %swap3A_87 = arith.constant 0 : index
    %swap3A_88 = arith.constant 0 : index
    %swap3A_89 = vector.load %arg2[%swap3A_86, %swap3A_87, %swap3A_88] : memref<16x2048x64xf32, #tpu.memory_space<vmem>>, vector<1x2048x64xf32>
    %swap3A_90 = vector.shape_cast %swap3A_89 : vector<1x2048x64xf32> to vector<2048x64xf32>
    %swap3A_91 = vector.shape_cast %get3A_85 : vector<2048x64xf32> to vector<1x2048x64xf32>
    tpu.vector_store %arg2[%swap3A_86, %swap3A_87, %swap3A_88], %swap3A_91 {strides = array<i32>} : memref<16x2048x64xf32, #tpu.memory_space<vmem>>, vector<1x2048x64xf32>,
    %add3A_92 = arith.constant 8 : i32
    %add3A_93 = arith.addi %multiple_of3A, %add3A_92 : i32
    %get3A_94 = arith.constant 0 : index
    %get3A_95 = arith.index_cast %add3A_93 : i32 to index
    %get3A_96 = arith.constant 0 : index
    %get3A_97 = vector.load %arg1[%get3A_94, %get3A_95, %get3A_96] : memref<8x4096x64xf32, #tpu.memory_space<vmem>>, vector<1x2048x64xf32>
    %get3A_98 = vector.shape_cast %get3A_97 : vector<1x2048x64xf32> to vector<2048x64xf32>
    %swap3A_99 = arith.constant 7 : index
    %swap3A_100 = arith.constant 0 : index
    %swap3A_101 = arith.constant 0 : index
    %swap3A_102 = vector.load %arg2[%swap3A_99, %swap3A_100, %swap3A_101] : memref<16x2048x64xf32, #tpu.memory_space<vmem>>, vector<1x2048x64xf32>
    %swap3A_103 = vector.shape_cast %swap3A_102 : vector<1x2048x64xf32> to vector<2048x64xf32>
    %swap3A_104 = vector.shape_cast %get3A_98 : vector<2048x64xf32> to vector<1x2048x64xf32>
    tpu.vector_store %arg2[%swap3A_99, %swap3A_100, %swap3A_101], %swap3A_104 {strides = array<i32>} : memref<16x2048x64xf32, #tpu.memory_space<vmem>>, vector<1x2048x64xf32>,
    %add3A_105 = arith.constant 0 : i32
    %add3A_106 = arith.addi %multiple_of3A, %add3A_105 : i32
    %get3A_107 = arith.constant 7 : index
    %get3A_108 = arith.index_cast %add3A_106 : i32 to index
    %get3A_109 = arith.constant 0 : index
    %get3A_110 = vector.load %arg1[%get3A_107, %get3A_108, %get3A_109] : memref<8x4096x64xf32, #tpu.memory_space<vmem>>, vector<1x2048x64xf32>
    %get3A_111 = vector.shape_cast %get3A_110 : vector<1x2048x64xf32> to vector<2048x64xf32>
    %swap3A_112 = arith.constant 8 : index
    %swap3A_113 = arith.constant 0 : index
    %swap3A_114 = arith.constant 0 : index
    %swap3A_115 = vector.load %arg2[%swap3A_112, %swap3A_113, %swap3A_114] : memref<16x2048x64xf32, #tpu.memory_space<vmem>>, vector<1x2048x64xf32>
    %swap3A_116 = vector.shape_cast %swap3A_115 : vector<1x2048x64xf32> to vector<2048x64xf32>
    %swap3A_117 = vector.shape_cast %get3A_111 : vector<2048x64xf32> to vector<1x2048x64xf32>
    tpu.vector_store %arg2[%swap3A_112, %swap3A_113, %swap3A_114], %swap3A_117 {strides = array<i32>} : memref<16x2048x64xf32, #tpu.memory_space<vmem>>, vector<1x2048x64xf32>,
    %add3A_118 = arith.constant 0 : i32
    %add3A_119 = arith.addi %multiple_of3A, %add3A_118 : i32
    %get3A_120 = arith.constant 6 : index
    %get3A_121 = arith.index_cast %add3A_119 : i32 to index
    %get3A_122 = arith.constant 0 : index
    %get3A_123 = vector.load %arg1[%get3A_120, %get3A_121, %get3A_122] : memref<8x4096x64xf32, #tpu.memory_space<vmem>>, vector<1x2048x64xf32>
    %get3A_124 = vector.shape_cast %get3A_123 : vector<1x2048x64xf32> to vector<2048x64xf32>
    %swap3A_125 = arith.constant 9 : index
    %swap3A_126 = arith.constant 0 : index
    %swap3A_127 = arith.constant 0 : index
    %swap3A_128 = vector.load %arg2[%swap3A_125, %swap3A_126, %swap3A_127] : memref<16x2048x64xf32, #tpu.memory_space<vmem>>, vector<1x2048x64xf32>
    %swap3A_129 = vector.shape_cast %swap3A_128 : vector<1x2048x64xf32> to vector<2048x64xf32>
    %swap3A_130 = vector.shape_cast %get3A_124 : vector<2048x64xf32> to vector<1x2048x64xf32>
    tpu.vector_store %arg2[%swap3A_125, %swap3A_126, %swap3A_127], %swap3A_130 {strides = array<i32>} : memref<16x2048x64xf32, #tpu.memory_space<vmem>>, vector<1x2048x64xf32>,
    %add3A_131 = arith.constant 0 : i32
    %add3A_132 = arith.addi %multiple_of3A, %add3A_131 : i32
    %get3A_133 = arith.constant 5 : index
    %get3A_134 = arith.index_cast %add3A_132 : i32 to index
    %get3A_135 = arith.constant 0 : index
    %get3A_136 = vector.load %arg1[%get3A_133, %get3A_134, %get3A_135] : memref<8x4096x64xf32, #tpu.memory_space<vmem>>, vector<1x2048x64xf32>
    %get3A_137 = vector.shape_cast %get3A_136 : vector<1x2048x64xf32> to vector<2048x64xf32>
    %swap3A_138 = arith.constant 10 : index
    %swap3A_139 = arith.constant 0 : index
    %swap3A_140 = arith.constant 0 : index
    %swap3A_141 = vector.load %arg2[%swap3A_138, %swap3A_139, %swap3A_140] : memref<16x2048x64xf32, #tpu.memory_space<vmem>>, vector<1x2048x64xf32>
    %swap3A_142 = vector.shape_cast %swap3A_141 : vector<1x2048x64xf32> to vector<2048x64xf32>
    %swap3A_143 = vector.shape_cast %get3A_137 : vector<2048x64xf32> to vector<1x2048x64xf32>
    tpu.vector_store %arg2[%swap3A_138, %swap3A_139, %swap3A_140], %swap3A_143 {strides = array<i32>} : memref<16x2048x64xf32, #tpu.memory_space<vmem>>, vector<1x2048x64xf32>,
    %add3A_144 = arith.constant 0 : i32
    %add3A_145 = arith.addi %multiple_of3A, %add3A_144 : i32
    %get3A_146 = arith.constant 4 : index
    %get3A_147 = arith.index_cast %add3A_145 : i32 to index
    %get3A_148 = arith.constant 0 : index
    %get3A_149 = vector.load %arg1[%get3A_146, %get3A_147, %get3A_148] : memref<8x4096x64xf32, #tpu.memory_space<vmem>>, vector<1x2048x64xf32>
    %get3A_150 = vector.shape_cast %get3A_149 : vector<1x2048x64xf32> to vector<2048x64xf32>
    %swap3A_151 = arith.constant 11 : index
    %swap3A_152 = arith.constant 0 : index
    %swap3A_153 = arith.constant 0 : index
    %swap3A_154 = vector.load %arg2[%swap3A_151, %swap3A_152, %swap3A_153] : memref<16x2048x64xf32, #tpu.memory_space<vmem>>, vector<1x2048x64xf32>
    %swap3A_155 = vector.shape_cast %swap3A_154 : vector<1x2048x64xf32> to vector<2048x64xf32>
    %swap3A_156 = vector.shape_cast %get3A_150 : vector<2048x64xf32> to vector<1x2048x64xf32>
    tpu.vector_store %arg2[%swap3A_151, %swap3A_152, %swap3A_153], %swap3A_156 {strides = array<i32>} : memref<16x2048x64xf32, #tpu.memory_space<vmem>>, vector<1x2048x64xf32>,
    %add3A_157 = arith.constant 0 : i32
    %add3A_158 = arith.addi %multiple_of3A, %add3A_157 : i32
    %get3A_159 = arith.constant 3 : index
    %get3A_160 = arith.index_cast %add3A_158 : i32 to index
    %get3A_161 = arith.constant 0 : index
    %get3A_162 = vector.load %arg1[%get3A_159, %get3A_160, %get3A_161] : memref<8x4096x64xf32, #tpu.memory_space<vmem>>, vector<1x2048x64xf32>
    %get3A_163 = vector.shape_cast %get3A_162 : vector<1x2048x64xf32> to vector<2048x64xf32>
    %swap3A_164 = arith.constant 12 : index
    %swap3A_165 = arith.constant 0 : index
    %swap3A_166 = arith.constant 0 : index
    %swap3A_167 = vector.load %arg2[%swap3A_164, %swap3A_165, %swap3A_166] : memref<16x2048x64xf32, #tpu.memory_space<vmem>>, vector<1x2048x64xf32>
    %swap3A_168 = vector.shape_cast %swap3A_167 : vector<1x2048x64xf32> to vector<2048x64xf32>
    %swap3A_169 = vector.shape_cast %get3A_163 : vector<2048x64xf32> to vector<1x2048x64xf32>
    tpu.vector_store %arg2[%swap3A_164, %swap3A_165, %swap3A_166], %swap3A_169 {strides = array<i32>} : memref<16x2048x64xf32, #tpu.memory_space<vmem>>, vector<1x2048x64xf32>,
    %add3A_170 = arith.constant 0 : i32
    %add3A_171 = arith.addi %multiple_of3A, %add3A_170 : i32
    %get3A_172 = arith.constant 2 : index
    %get3A_173 = arith.index_cast %add3A_171 : i32 to index
    %get3A_174 = arith.constant 0 : index
    %get3A_175 = vector.load %arg1[%get3A_172, %get3A_173, %get3A_174] : memref<8x4096x64xf32, #tpu.memory_space<vmem>>, vector<1x2048x64xf32>
    %get3A_176 = vector.shape_cast %get3A_175 : vector<1x2048x64xf32> to vector<2048x64xf32>
    %swap3A_177 = arith.constant 13 : index
    %swap3A_178 = arith.constant 0 : index
    %swap3A_179 = arith.constant 0 : index
    %swap3A_180 = vector.load %arg2[%swap3A_177, %swap3A_178, %swap3A_179] : memref<16x2048x64xf32, #tpu.memory_space<vmem>>, vector<1x2048x64xf32>
    %swap3A_181 = vector.shape_cast %swap3A_180 : vector<1x2048x64xf32> to vector<2048x64xf32>
    %swap3A_182 = vector.shape_cast %get3A_176 : vector<2048x64xf32> to vector<1x2048x64xf32>
    tpu.vector_store %arg2[%swap3A_177, %swap3A_178, %swap3A_179], %swap3A_182 {strides = array<i32>} : memref<16x2048x64xf32, #tpu.memory_space<vmem>>, vector<1x2048x64xf32>,
    %add3A_183 = arith.constant 0 : i32
    %add3A_184 = arith.addi %multiple_of3A, %add3A_183 : i32
    %get3A_185 = arith.constant 1 : index
    %get3A_186 = arith.index_cast %add3A_184 : i32 to index
    %get3A_187 = arith.constant 0 : index
    %get3A_188 = vector.load %arg1[%get3A_185, %get3A_186, %get3A_187] : memref<8x4096x64xf32, #tpu.memory_space<vmem>>, vector<1x2048x64xf32>
    %get3A_189 = vector.shape_cast %get3A_188 : vector<1x2048x64xf32> to vector<2048x64xf32>
    %swap3A_190 = arith.constant 14 : index
    %swap3A_191 = arith.constant 0 : index
    %swap3A_192 = arith.constant 0 : index
    %swap3A_193 = vector.load %arg2[%swap3A_190, %swap3A_191, %swap3A_192] : memref<16x2048x64xf32, #tpu.memory_space<vmem>>, vector<1x2048x64xf32>
    %swap3A_194 = vector.shape_cast %swap3A_193 : vector<1x2048x64xf32> to vector<2048x64xf32>
    %swap3A_195 = vector.shape_cast %get3A_189 : vector<2048x64xf32> to vector<1x2048x64xf32>
    tpu.vector_store %arg2[%swap3A_190, %swap3A_191, %swap3A_192], %swap3A_195 {strides = array<i32>} : memref<16x2048x64xf32, #tpu.memory_space<vmem>>, vector<1x2048x64xf32>,
    %add3A_196 = arith.constant 0 : i32
    %add3A_197 = arith.addi %multiple_of3A, %add3A_196 : i32
    %get3A_198 = arith.constant 0 : index
    %get3A_199 = arith.index_cast %add3A_197 : i32 to index
    %get3A_200 = arith.constant 0 : index
    %get3A_201 = vector.load %arg1[%get3A_198, %get3A_199, %get3A_200] : memref<8x4096x64xf32, #tpu.memory_space<vmem>>, vector<1x2048x64xf32>
    %get3A_202 = vector.shape_cast %get3A_201 : vector<1x2048x64xf32> to vector<2048x64xf32>
    %swap3A_203 = arith.constant 15 : index
    %swap3A_204 = arith.constant 0 : index
    %swap3A_205 = arith.constant 0 : index
    %swap3A_206 = vector.load %arg2[%swap3A_203, %swap3A_204, %swap3A_205] : memref<16x2048x64xf32, #tpu.memory_space<vmem>>, vector<1x2048x64xf32>
    %swap3A_207 = vector.shape_cast %swap3A_206 : vector<1x2048x64xf32> to vector<2048x64xf32>
    %swap3A_208 = vector.shape_cast %get3A_202 : vector<2048x64xf32> to vector<1x2048x64xf32>
    tpu.vector_store %arg2[%swap3A_203, %swap3A_204, %swap3A_205], %swap3A_208 {strides = array<i32>} : memref<16x2048x64xf32, #tpu.memory_space<vmem>>, vector<1x2048x64xf32>,
    return
  }
  func.func @transform_0(%arg0: i32) -> (i32, i32, i32) {
    %c0_i32 = arith.constant 0 : i32
    %c0_i32_0 = arith.constant 0 : i32
    %c0_i32_1 = arith.constant 0 : i32
    %c0_i32_2 = arith.constant 0 : i32
    return %c0_i32, %c0_i32_0, %c0_i32_1 : i32, i32, i32
  }
  func.func @transform_1(%arg0: i32) -> (i32, i32, i32) {
    %add3A = arith.constant 8 : i32
    %add3A_0 = arith.addi %arg0, %add3A : i32
    %c0_i32 = arith.constant 0 : i32
    %c0_i32_1 = arith.constant 0 : i32
    %c0_i32_2 = arith.constant 0 : i32
    return %add3A_0, %c0_i32, %c0_i32_1 : i32, i32, i32
  }
}

</mosaic_0001>

<sc_bundles>
// kernel: kernel.4.cloned.1.call-start
scs
__scs_entry_jumppad:
0x0: {  	(pc) =	sbr.rel $0x88, $3  }
0x1: {  	(tag) =	ssettag $0x0;
	lr =	simm.s32 $0x1  }
0x2: {  	[smem:$0x3FA0] =	sst lr;
	_ =	strace $0xD0000000  }
0x3: {  	_ = 	snop  }
0x4: {  	_ = 	snop  }
0x5: {  	_ = 	snop  }
0x6: {  	_ = 	snop  }
0x7: {  	_ = 	snop  }
__scs_overlays_trampoline_lowered:
0x8: {  	[smem:$0x3FAF] =	sst s0  }
0x9: {  	[smem:$0x3FB0] =	sst s1  }
0xa: {  	[smem:$0x3FB1] =	sst s2  }
0xb: {  	[smem:$0x3FB2] =	sst s3  }
0xc: {  	[smem:$0x3FB3] =	sst s4  }
0xd: {  	[smem:$0x3FB4] =	sst s5  }
0xe: {  	[smem:$0x3FB5] =	sst s6  }
0xf: {  	[smem:$0x3FB6] =	sst s7  }
0x10: {  	[smem:$0x3FB7] =	sst s8  }
0x11: {  	[smem:$0x3FB8] =	sst s9;
	s0 =	simm.s32 @!p0 $0x0  }
0x12: {  	s1 =	sld [smem:$0x3F9E];
	s0 =	simm.s32 @p0 $0x1  }
0x13: {  	[smem:$0x3FB9] =	sst s0;
	s0 =	simm.s32 @!p1 $0x0  }
0x14: {  	s2 =	sld [smem:$0x3F9D];
	s0 =	simm.s32 @p1 $0x1  }
0x15: {  	[smem:$0x3FBA] =	sst s0;
	s0 =	simm.s32 @!p2 $0x0  }
0x16: {  	s3 =	sld [smem:$0x3FDB];
	s0 =	simm.s32 @p2 $0x1  }
0x17: {  	s4 =	simm.s32 $0x1BF5;
	[smem:$0x3FBC] =	sst s0  }
0x18: {  	s0 =	sld [smem:$0x3F9F];
	_ =	swait.ge [sflag:s4], $0x0  }
0x19: {  	s7 =	sld [smem:$0x3FA0]  }
0x1a: {  	s8 =	sadd.s32 $0xFFFFE003, lr  }
0x1b: {  	s9 =	sadd.s32 $0xFFFFFEF7, lr;
	s5 =	simm.s32 $0xFFFFFFFF;
	p2 =	slt.u32 s8, $0xFFFFF086  }
0x1c: {  	p1 =	slt.u32 s9, $0xF7A;
	s5 =	simm.s32 @!p2 $0x0  }
0x1d: {  	s5 =	simm.s32 @p1 $0x1;
	p0 =	seq.s32 s7, s2  }
0x1e: {  	s7 =	smul.u32 @!p0 $0xF7A, s2;
	p2 =	seq.s32 @!p0 s5, $0x0  }
0x1f: {  	s9 =	smul.u32 $0xF7A, s1;
	s8 =	simm.s32 @!p0 $0x1BF5;
	p2 =	por !p2, p0  }
0x20: {  	[sflag:s8] =	ssyncset.s32 @!p0 $0xFFFFF086;
	s6 =	sadd.s32 @!p0 s3, s7;
	s7 =	simm.s32 @!p0 $0x108  }
0x21: {  	s3 =	sadd.s32 s3, s9;
	s6 =	sadd.s32 @!p0 $0x88, s6;
	s7 =	simm.s32 @p2 $0x1082  }
0x22: {  	[simem:s7], [sflag:s8] =	dma.local @!p0 [hbm:s6], $0xF7A  }
0x23: {  	s9 =	sor.u32 $0xD0000000, s2;
	s6 =	simm.s32 $0x108;
	_ =	swait.ge @!p0 [sflag:s8], $0x0  }
0x24: {  	s3 =	sadd.s32 $0x88, s3;
	s6 =	simm.s32 @!p1 $0x1082;
	[sflag:s4] =	ssyncset.s32 $0xFFFFF086  }
0x25: {  	[simem:s6], [sflag:s4] =	dma.local [hbm:s3], $0xF7A  }
0x26: {  	[smem:$0x3FA0] =	sst s1;
	(tag) =	ssettag s2;
	_ =	strace s9  }
0x27: {  	s1 =	sld [smem:$0x3FB0]  }
0x28: {  	s2 =	sld [smem:$0x3FB1]  }
0x29: {  	s4 =	sld [smem:$0x3FB3]  }
0x2a: {  	p0 =	seq.s32 s5, $0x0;
	s5 =	sld [smem:$0x3FB4]  }
0x2b: {  	s6 =	sld [smem:$0x3FB5]  }
0x2c: {  	s7 =	sld [smem:$0x3FB6]  }
0x2d: {  	s3 =	simm.s32 $0x108;
	s8 =	sld [smem:$0x3FB7]  }
0x2e: {  	s3 =	simm.s32 @!p0 $0x1082;
	s9 =	sld [smem:$0x3FB8]  }
0x2f: {  	lr =	sadd.s32 s0, s3;
	s0 =	sld [smem:$0x3FAF]  }
0x30: {  	s3 =	sld [smem:$0x3FB2]  }
0x31: {  	[smem:$0x3FBB] =	sst s10  }
0x32: {  	s10 =	sld [smem:$0x3FB9];
	_ =	sdelay $0x3  }
0x33: {  	p0 =	seq.s32 s10, $0x1;
	s10 =	sld [smem:$0x3FBB];
	_ =	sdelay $0x3  }
0x34: {  	[smem:$0x3FBB] =	sst s10  }
0x35: {  	s10 =	sld [smem:$0x3FBA];
	_ =	sdelay $0x3  }
0x36: {  	p1 =	seq.s32 s10, $0x1;
	s10 =	sld [smem:$0x3FBB];
	_ =	sdelay $0x3  }
0x37: {  	[smem:$0x3FBB] =	sst s10  }
0x38: {  	s10 =	sld [smem:$0x3FBC]  }
0x39: {  	_ = 	snop;
	(pc) =	sbr.ind lr, $3  }
0x3a: {  	_ = 	snop  }
0x3b: {  	_ = 	snop  }
0x3c: {  	p2 =	seq.s32 s10, $0x1;
	s10 =	sld [smem:$0x3FBB]  }
0x3d: {  	_ =	shalt  }
0x3e: {  	_ =	shalt  }
0x3f: {  	_ =	shalt  }
0x40: {  	_ =	shalt  }
0x41: {  	_ =	shalt  }
0x42: {  	_ =	shalt  }
0x43: {  	_ =	shalt  }
0x44: {  	_ =	shalt  }
0x45: {  	_ =	shalt  }
0x46: {  	_ =	shalt  }
0x47: {  	_ =	shalt  }
0x48: {  	_ =	shalt  }
0x49: {  	_ =	shalt  }
0x4a: {  	_ =	shalt  }
0x4b: {  	_ =	shalt  }
0x4c: {  	_ =	shalt  }
0x4d: {  	_ =	shalt  }
0x4e: {  	_ =	shalt  }
0x4f: {  	_ =	shalt  }
0x50: {  	_ =	shalt  }
0x51: {  	_ =	shalt  }
0x52: {  	_ =	shalt  }
0x53: {  	_ =	shalt  }
0x54: {  	_ =	shalt  }
0x55: {  	_ =	shalt  }
0x56: {  	_ =	shalt  }
0x57: {  	_ =	shalt  }
0x58: {  	_ =	shalt  }
0x59: {  	_ =	shalt  }
0x5a: {  	_ =	shalt  }
0x5b: {  	_ =	shalt  }
0x5c: {  	_ =	shalt  }
0x5d: {  	_ =	shalt  }
0x5e: {  	_ =	shalt  }
0x5f: {  	_ =	shalt  }
0x60: {  	_ =	shalt  }
0x61: {  	_ =	shalt  }
0x62: {  	_ =	shalt  }
0x63: {  	_ =	shalt  }
0x64: {  	_ =	shalt  }
0x65: {  	_ =	shalt  }
0x66: {  	_ =	shalt  }
0x67: {  	_ =	shalt  }
0x68: {  	_ =	shalt  }
0x69: {  	_ =	shalt  }
0x6a: {  	_ =	shalt  }
0x6b: {  	_ =	shalt  }
0x6c: {  	_ =	shalt  }
0x6d: {  	_ =	shalt  }
0x6e: {  	_ =	shalt  }
0x6f: {  	_ =	shalt  }
0x70: {  	_ =	shalt  }
0x71: {  	_ =	shalt  }
0x72: {  	_ =	shalt  }
0x73: {  	_ =	shalt  }
0x74: {  	_ =	shalt  }
0x75: {  	_ =	shalt  }
0x76: {  	_ =	shalt  }
0x77: {  	_ =	shalt  }
0x78: {  	_ =	shalt  }
0x79: {  	_ =	shalt  }
0x7a: {  	_ =	shalt  }
0x7b: {  	_ =	shalt  }
0x7c: {  	_ =	shalt  }
0x7d: {  	_ =	shalt  }
0x7e: {  	_ =	shalt  }
0x7f: {  	_ =	shalt  }
0x80: {  	_ =	shalt  }
0x81: {  	_ =	shalt  }
0x82: {  	_ =	shalt  }
0x83: {  	_ =	shalt  }
0x84: {  	_ =	shalt  }
0x85: {  	_ =	shalt  }
0x86: {  	_ =	shalt  }
0x87: {  	_ =	shalt  }
.Lfunc_end0:
.L_simem_size_0:
called_computation.1_lowered:
.L_overlay_start_0:
0x88: {  	s2 =	sld [smem:$0x3FD9]  }
0x89: {  	s3 =	sld [smem:$0x3FFE];
	_ =	sdelay $0x1  }
0x8a: {  	s1 =	srdreg.scid  }
0x8b: {  	s0 =	sand.u32 $0x1, s1  }
0x8c: {  	s17 =	sshll.u32 s0, $0xA;
	s2 =	sadd.s32 s3, s2  }
0x8d: {  	s2 =	sadd.s32 s2, s17  }
0x8e: {  	[smem:$0x3FC7] =	sst s2  }
0x8f: {  	_ = 	snop  }
0x90: {  	s2 =	sld [smem:$0x3FD0];
	(tm) =	ssettm $0x1  }
0x91: {  	s18 =	sld [smem:$0x3FFB];
	_ =	sdelay $0x3  }
0x92: {  	_ =	strace s18  }
0x93: {  	s3 =	sld [smem:$0x3FFC];
	_ =	sdelay $0x3  }
0x94: {  	_ =	strace s3  }
0x95: {  	s3 =	sld [smem:$0x3FFD];
	_ =	sdelay $0x3  }
0x96: {  	_ =	strace s3  }
0x97: {  	_ =	strace $0x8FFFFFFF  }
0x98: {  	s19 =	sld [smem:$0x3FDB];
	_ =	sdelay $0x1  }
0x99: {  	s4 =	simm.s32 $_scs_section_size  }
0x9a: {  	s5 =	simm.s32 $_size__tile_overlayer_lowered;
	s6 =	simm.s32 $_tile_overlayer_lowered  }
0x9b: {  	s22 =	simm.s32 $0x1BFF;
	s21 =	sshll.u32 s6, $0x1;
	s3 =	sadd.s32 s4, s19  }
0x9c: {  	s7 =	simm.s32 $0x0;
	s20 =	sshll.u32 s5, $0x1;
	s5 =	sadd.s32 s21, s3  }
0x9d: {  	[timem:s7], [sflag:s22] =	dma.local [hbm:s5], s20  }
0x9e: {  	_ =	swait.ge [sflag:s22], s20  }
0x9f: {  	s4 =	ssub.s32 $0x0, s20;
	[sflag:s22] =	ssyncset.done $0x0  }
0xa0: {  	[sflag:s22] =	ssyncadd.s32 s4;
	_ =	sdelay $0x1  }
0xa1: {  	s23 =	simm.s32 $0x1B8B  }
0xa2: {  	_ =	swait.ge [sflag:s23], $0x1  }
0xa3: {  	[sflag:s23] =	ssyncset.done $0x0  }
0xa4: {  	s25 =	simm.s32 $0x1B8E;
	s24 =	sld [smem:$0x3FFE];
	[sflag:s23] =	ssyncadd.s32 $0xFFFFFFFF  }
0xa5: {  	s26 =	simm.s32 $execute0_lowered;
	[smem:$0x3FD2] =	sst s25  }
0xa6: {  	s5 =	sshll.u32 s26, $0x1;
	_ =	strace $0x80000046;
	[dreg:$0x1] =	wrdreg $0xFFFFFFFF  }
0xa7: {  	s28 =	simm.s32 $_size_execute0_lowered;
	s3 =	sadd.s32 s3, s5;
	[dreg:$0x0] =	wrdreg $0x0  }
0xa8: {  	s5 =	sshll.u32 s28, $0x1;
	[dreg:$0x2] =	wrdreg s3  }
0xa9: {  	[dreg:$0x3] =	wrdreg s5  }
0xaa: {  	[dreg:$0x4] =	wrdreg $0xC0  }
0xab: {  	_ =	task [dreg:s7], $0x5FFFF  }
0xac: {  	[dreg:$0x1] =	wrdreg $0xFFFFFFFF  }
0xad: {  	[dreg:$0x0] =	wrdreg $0x60  }
0xae: {  	[dreg:$0x2] =	wrdreg s24  }
0xaf: {  	[dreg:$0x3] =	wrdreg s2  }
0xb0: {  	[dreg:$0x4] =	wrdreg $0x0  }
0xb1: {  	[dreg:$0x5] =	wrdreg $0x9  }
0xb2: {  	_ =	task.clear_ibuf [dreg:s7], $0x6FFFF;
	_ =	strace $0x90000046  }
0xb3: {  	s29 =	simm.s32 $0x9;
	_ =	strace $0x80000048  }
0xb4: {  	_ =	swait.ge [sflag:s29], $0x1  }
0xb5: {  	[sflag:s29] =	ssyncadd.s32 $0xFFFFFFFF  }
0xb6: {  	_ =	strace $0x90000048  }
0xb7: {  	_ =	sfence  }
0xb8: {  	s30 =	sld [smem:$0x0];
	_ =	sdelay $0x2  }
0xb9: {  	s31 =	sshll.u32 s1, $0xD;
	s1 =	sshrl.u32 s1, $0x2  }
0xba: {  	s3 =	sand.u32 $0x4000, s31;
	s1 =	sadd.s32 s1, s30  }
0xbb: {  	s0 =	sor.u32 s3, s0;
	s1 =	sshll.u32 s1, $0x11  }
0xbc: {  	s0 =	sor.u32 s1, s0  }
0xbd: {  	s0 =	sadd.s32 $0x8F2B, s0  }
0xbe: {  	[sflag:s0] =	ssyncadd.remote.s32 $0x1  }
0xbf: {  	_ =	sfence.sel $0xFFFF  }
0xc0: {  	[dreg:$0x0] =	wrdreg $0xFFFFFFFF;
	(pc) =	sbr.abs _section_cstart, $3  }
0xc1: {  	[dreg:$0x1] =	wrdreg $0xFFFFFFFF  }
0xc2: {  	_ =	task.clear_ibuf [dreg:s7], $0x2FFFF;
	_ =	strace $0x9FFFFFFF  }
0xc3: {  	(tm) =	ssettm $0x7FFFFFFF  }
tec
execute0_lowered:
.L_overlay_start_1:
0x0: {  	(tag) =	ssettag $0x1  }
0x1: {  	s1 =	rddreg [dreg:$0x0]  }
0x2: {  	s2 =	rddreg [dreg:$0x1]  }
0x3: {  	s6 =	rddreg [dreg:$0x2]  }
0x4: {  	s0 =	rddreg [dreg:$0x3];
	s3 =	srdreg.scid;
	s4 =	simm.s32 $0x0  }
0x5: {  	s7 =	stileid.u32;
	p1 =	por $0x0, $0x0;
	s3 =	sand.u32 $0x1, s3  }
0x6: {  	[smem:$0x7FF] =	sst s4;
	s29 =	sshll.u32 s3, $0x6;
	s3 =	ssub.s32 $0x2, s3  }
0x7: {  	s5 =	sshll.u32 s7, $0x2;
	s1 =	sadd.s32 $0x11000, s1;
	s8 =	sshrl.u32 s3, $0x1  }
0x8: {  	p0 =	sne.s32 s7, $0x0;
	s31 =	sshll.u32 s7, $0x6;
	s8 =	ssub.s32 s3, s8  }
0x9: {  	_ =	strace $0x80000047;
	s11 =	sshrl.u32 @!p0 s6, $0x3;
	s30 =	smax.u32 s8, $0x1  }
0xa: {  	s7 =	sor.u32 $0x1C01, s31;
	s4 =	sor.u32 s5, s29;
	s15 =	sadd.s32 $0xFFFFFFFF, s30  }
0xb: {  	s5 =	sshll.u32 s4, $0xF;
	s4 =	sshll.u32 s4, $0x7;
	p2 =	sne.s32 s15, $0x0  }
.Ltmp0:
0xc: {  	s2 =	sadd.s32 s2, s5;
	s9 =	ssub.s32 s6, s4;
	(pc) =	sbr.rel @!p2 .LBB2_3-.Ltmp0, $4  }
0xd: {  	s6 =	simm.s32 $0x1;
	s10 =	sadd.s32 $0x3FF80, s9;
	s3 =	sadd.s32 $0x8000, s2  }
0xe: {  	s12 =	sadd.s32 $0x3FF00, s9;
	s4 =	sadd.s32 $0x10000, s2;
	s13 =	sadd.s32 $0x3FE80, s9  }
0xf: {  	s5 =	sadd.s32 $0x18000, s2;
	s14 =	sadd.s32 $0x3FE00, s9;
	s8 =	sshrl.u32 s10, $0x3  }
0x10: {  	s9 =	sshrl.u32 s12, $0x3;
	s10 =	sshrl.u32 s13, $0x3;
	s12 =	sshrl.u32 s14, $0x3  }
0x11: {  	s13 =	simm.s32 @!p0 $0x1C02;
	s14 =	simm.s32 @!p0 $0x2  }
0x12: {  	[spmem:s11], [sflag:s13] =	dma.local @!p0 [hbm:s1], $0x10000  }
0x13: {  	_ =	swait.ge @!p0 [sflag:s14], $0x10000  }
0x14: {  	[sflag:s14] =	ssyncset.done @!p0 $0x0  }
0x15: {  	[sflag:s14] =	ssyncadd.s32 @!p0 $0xFFFF0000  }
0x16: {  	[bflag:$0x0] =	sbarrier.arrive $0xFFFF  }
0x17: {  	[hbm:s2], [sflag:s7] =	dma.local [spmem:s8], $0x8000  }
0x18: {  	[hbm:s3], [sflag:s7] =	dma.local [spmem:s9], $0x8000  }
0x19: {  	[hbm:s4], [sflag:s7] =	dma.local [spmem:s10], $0x8000  }
0x1a: {  	[hbm:s5], [sflag:s7] =	dma.local [spmem:s12], $0x8000  }
0x1b: {  	_ =	swait.ge [sflag:s6], $0x8000  }
0x1c: {  	[sflag:s6] =	ssyncset.done $0x0  }
0x1d: {  	[sflag:s6] =	ssyncadd.s32 $0xFFFF8000  }
0x1e: {  	_ =	swait.ge [sflag:s6], $0x8000  }
0x1f: {  	s15 =	sadd.s32 $0xFFFFFFFF, s15;
	[sflag:s6] =	ssyncset.done $0x0  }
0x20: {  	p2 =	sne.s32 s15, $0x0;
	[sflag:s6] =	ssyncadd.s32 $0xFFFF8000  }
.Ltmp1:
0x21: {  	_ =	swait.ge [sflag:s6], $0x8000;
	(pc) =	sbr.rel @!p2 .LBB2_3-.Ltmp1, $4  }
0x22: {  	[sflag:s6] =	ssyncset.done $0x0  }
0x23: {  	[sflag:s6] =	ssyncadd.s32 $0xFFFF8000  }
0x24: {  	_ =	swait.ge [sflag:s6], $0x8000  }
0x25: {  	p1 =	por $0x1, $0x1;
	[sflag:s6] =	ssyncset.done $0x0  }
.LBB2_2:
0x26: {  	[sflag:s6] =	ssyncadd.s32 $0xFFFF8000  }
0x27: {  	[spmem:s11], [sflag:s13] =	dma.local @!p0 [hbm:s1], $0x10000  }
0x28: {  	s15 =	sadd.s32 $0xFFFFFFFF, s15;
	_ =	swait.ge @!p0 [sflag:s14], $0x10000  }
0x29: {  	p2 =	sne.s32 s15, $0x0;
	[sflag:s14] =	ssyncset.done @!p0 $0x0  }
0x2a: {  	[sflag:s14] =	ssyncadd.s32 @!p0 $0xFFFF0000  }
0x2b: {  	[bflag:$0x0] =	sbarrier.arrive $0xFFFF  }
0x2c: {  	[hbm:s2], [sflag:s7] =	dma.local [spmem:s8], $0x8000  }
0x2d: {  	[hbm:s3], [sflag:s7] =	dma.local [spmem:s9], $0x8000  }
0x2e: {  	[hbm:s4], [sflag:s7] =	dma.local [spmem:s10], $0x8000  }
0x2f: {  	[hbm:s5], [sflag:s7] =	dma.local [spmem:s12], $0x8000  }
0x30: {  	_ =	swait.ge [sflag:s6], $0x8000  }
0x31: {  	[sflag:s6] =	ssyncset.done $0x0  }
0x32: {  	[sflag:s6] =	ssyncadd.s32 $0xFFFF8000  }
0x33: {  	_ =	swait.ge [sflag:s6], $0x8000  }
0x34: {  	[sflag:s6] =	ssyncset.done $0x0  }
0x35: {  	[sflag:s6] =	ssyncadd.s32 $0xFFFF8000  }
.Ltmp2:
0x36: {  	_ =	swait.ge [sflag:s6], $0x8000;
	(pc) =	sbr.rel @p2 .LBB2_2-.Ltmp2, $4  }
0x37: {  	[sflag:s6] =	ssyncset.done $0x0  }
0x38: {  	[sflag:s6] =	ssyncadd.s32 $0xFFFF8000  }
0x39: {  	_ =	swait.ge [sflag:s6], $0x8000  }
0x3a: {  	[sflag:s6] =	ssyncset.done $0x0  }
.LBB2_3:
0x3b: {  	s13 =	simm.s32 @!p0 $0x1C02;
	s14 =	simm.s32 @!p0 $0x2;
	[sflag:s6] =	ssyncadd.s32 @p1 $0xFFFF8000  }
0x3c: {  	[spmem:s11], [sflag:s13] =	dma.local @!p0 [hbm:s1], $0x10000  }
0x3d: {  	_ =	swait.ge @!p0 [sflag:s14], $0x10000  }
0x3e: {  	[sflag:s14] =	ssyncset.done @!p0 $0x0  }
0x3f: {  	[sflag:s14] =	ssyncadd.s32 @!p0 $0xFFFF0000  }
0x40: {  	[bflag:$0x0] =	sbarrier.arrive $0xFFFF  }
0x41: {  	[hbm:s2], [sflag:s7] =	dma.local [spmem:s8], $0x8000  }
0x42: {  	[hbm:s3], [sflag:s7] =	dma.local [spmem:s9], $0x8000  }
0x43: {  	[hbm:s4], [sflag:s7] =	dma.local [spmem:s10], $0x8000  }
0x44: {  	[hbm:s5], [sflag:s7] =	dma.local [spmem:s12], $0x8000  }
0x45: {  	_ =	swait.ge [sflag:s6], $0x8000  }
0x46: {  	[sflag:s6] =	ssyncset.done $0x0  }
0x47: {  	[sflag:s6] =	ssyncadd.s32 $0xFFFF8000  }
0x48: {  	_ =	swait.ge [sflag:s6], $0x8000  }
0x49: {  	[sflag:s6] =	ssyncset.done $0x0  }
0x4a: {  	[sflag:s6] =	ssyncadd.s32 $0xFFFF8000  }
0x4b: {  	_ =	swait.ge [sflag:s6], $0x8000  }
0x4c: {  	[sflag:s6] =	ssyncset.done $0x0  }
0x4d: {  	[sflag:s6] =	ssyncadd.s32 $0xFFFF8000  }
0x4e: {  	_ =	swait.ge [sflag:s6], $0x8000  }
0x4f: {  	[sflag:s6] =	ssyncset.done $0x0  }
0x50: {  	[sflag:s6] =	ssyncadd.s32 $0xFFFF8000  }
0x51: {  	_ =	sfence.sel $0x180000  }
0x52: {  	[bflag:$0x0] =	sbarrier.arrive $0xFFFF  }
0x53: {  	_ =	strace $0x90000047  }
0x54: {  	s0 =	sadd.s32 @!p0 $0x100000, s0;
	[bflag:$0x2] =	sbarrier.arrive $0xFFFF  }
0x55: {  	[sflag:s0] =	ssyncadd.tile.s32 @!p0 $0x1;
	_ =	shalt  }
.Lfunc_end2:
_tile_overlayer_lowered:
.L_overlay_start_2:
0x56: {  	(tag) =	ssettag $0x2  }
0x57: {  	s0 =	rddreg [dreg:$0x0];
	s2 =	stileid.u32  }
0x58: {  	s1 =	rddreg [dreg:$0x1];
	p0 =	sne.s32 s2, $0x0  }
0x59: {  	s3 =	rddreg [dreg:$0x2];
	[bflag:$0x3] =	sbarrier.arrive $0xFFFF;
	s2 =	simm.s32 @!p0 $0x1C02  }
0x5a: {  	[timem:s3], [sflag:s2] =	dma.local @!p0 [hbm:s0], s1  }
0x5b: {  	s0 =	simm.s32 @!p0 $0x2  }
0x5c: {  	_ =	swait.ge @!p0 [sflag:s0], s1  }
0x5d: {  	s1 =	ssub.s32 @!p0 $0x0, s1;
	[sflag:s0] =	ssyncset.done @!p0 $0x0  }
0x5e: {  	[sflag:s0] =	ssyncadd.s32 @!p0 s1  }
0x5f: {  	[bflag:$0x3] =	sbarrier.arrive $0xFFFF  }
0x60: {  	_ =	shalt  }

// kernel: sparse-core-data-format-call.cloned.1.call-start
scs
called_computation_lowered:
.L_overlay_start_0:
0x0: {  	s2 =	sld [smem:$0x3FD9]  }
0x1: {  	s3 =	sld [smem:$0x3FFE];
	_ =	sdelay $0x1  }
0x2: {  	s1 =	srdreg.scid  }
0x3: {  	s0 =	sand.u32 $0x1, s1  }
0x4: {  	s18 =	sshll.u32 s0, $0xA;
	s2 =	sadd.s32 s3, s2  }
0x5: {  	s2 =	sadd.s32 s2, s18  }
0x6: {  	[smem:$0x3FC7] =	sst s2  }
0x7: {  	_ = 	snop  }
0x8: {  	s2 =	sld [smem:$0x3FD0];
	(tm) =	ssettm $0x1  }
0x9: {  	s19 =	sld [smem:$0x3FFB];
	_ =	sdelay $0x3  }
0xa: {  	_ =	strace s19  }
0xb: {  	s3 =	sld [smem:$0x3FFC];
	_ =	sdelay $0x3  }
0xc: {  	_ =	strace s3  }
0xd: {  	s3 =	sld [smem:$0x3FFD];
	_ =	sdelay $0x3  }
0xe: {  	_ =	strace s3  }
0xf: {  	_ =	strace $0x8FFFFFFF  }
0x10: {  	s20 =	sld [smem:$0x3FDB];
	_ =	sdelay $0x1  }
0x11: {  	s4 =	simm.s32 $_scs_section_size  }
0x12: {  	s5 =	simm.s32 $_size__tile_overlayer_lowered;
	s6 =	simm.s32 $_tile_overlayer_lowered  }
0x13: {  	s23 =	simm.s32 $0x1BFF;
	s22 =	sshll.u32 s6, $0x1;
	s3 =	sadd.s32 s4, s20  }
0x14: {  	s7 =	simm.s32 $0x0;
	s21 =	sshll.u32 s5, $0x1;
	s5 =	sadd.s32 s22, s3  }
0x15: {  	[timem:s7], [sflag:s23] =	dma.local [hbm:s5], s21  }
0x16: {  	_ =	swait.ge [sflag:s23], s21  }
0x17: {  	s4 =	ssub.s32 $0x0, s21;
	[sflag:s23] =	ssyncset.done $0x0  }
0x18: {  	[sflag:s23] =	ssyncadd.s32 s4;
	_ =	sdelay $0x1  }
0x19: {  	s24 =	simm.s32 $0x1B8B  }
0x1a: {  	_ =	swait.ge [sflag:s24], $0x1  }
0x1b: {  	[sflag:s24] =	ssyncset.done $0x0  }
0x1c: {  	s26 =	simm.s32 $0x1B8E;
	s25 =	sld [smem:$0x3FFE];
	[sflag:s24] =	ssyncadd.s32 $0xFFFFFFFF  }
0x1d: {  	s27 =	simm.s32 $execute0_lowered;
	[smem:$0x3FD2] =	sst s26  }
0x1e: {  	s5 =	sshll.u32 s27, $0x1;
	_ =	strace $0x80000049;
	[dreg:$0x1] =	wrdreg $0xFFFFFFFF  }
0x1f: {  	s28 =	simm.s32 $_size_execute0_lowered;
	s3 =	sadd.s32 s3, s5;
	[dreg:$0x0] =	wrdreg $0x0  }
0x20: {  	s5 =	sshll.u32 s28, $0x1;
	[dreg:$0x2] =	wrdreg s3  }
0x21: {  	[dreg:$0x3] =	wrdreg s5  }
0x22: {  	[dreg:$0x4] =	wrdreg $0xC0  }
0x23: {  	_ =	task [dreg:s7], $0x5FFFF  }
0x24: {  	[dreg:$0x1] =	wrdreg $0xFFFFFFFF  }
0x25: {  	[dreg:$0x0] =	wrdreg $0x60  }
0x26: {  	[dreg:$0x2] =	wrdreg s25  }
0x27: {  	[dreg:$0x3] =	wrdreg s2  }
0x28: {  	[dreg:$0x4] =	wrdreg $0x9  }
0x29: {  	_ =	task.clear_ibuf [dreg:s7], $0x5FFFF;
	_ =	strace $0x90000049  }
0x2a: {  	s29 =	simm.s32 $0x9;
	_ =	strace $0x8000004B  }
0x2b: {  	_ =	swait.ge [sflag:s29], $0x1  }
0x2c: {  	[sflag:s29] =	ssyncadd.s32 $0xFFFFFFFF  }
0x2d: {  	_ =	strace $0x9000004B  }
0x2e: {  	_ =	sfence  }
0x2f: {  	s30 =	sld [smem:$0x0];
	_ =	sdelay $0x2  }
0x30: {  	s31 =	sshll.u32 s1, $0xD;
	s1 =	sshrl.u32 s1, $0x2  }
0x31: {  	s3 =	sand.u32 $0x4000, s31;
	s1 =	sadd.s32 s1, s30  }
0x32: {  	s0 =	sor.u32 s3, s0;
	s1 =	sshll.u32 s1, $0x11  }
0x33: {  	s0 =	sor.u32 s1, s0  }
0x34: {  	s0 =	sadd.s32 $0x8F2B, s0  }
0x35: {  	[sflag:s0] =	ssyncadd.remote.s32 $0x1  }
0x36: {  	_ =	sfence.sel $0xFFFF  }
0x37: {  	[dreg:$0x0] =	wrdreg $0xFFFFFFFF;
	(pc) =	sbr.abs _section_cstart, $3  }
0x38: {  	[dreg:$0x1] =	wrdreg $0xFFFFFFFF  }
0x39: {  	_ =	task.clear_ibuf [dreg:s7], $0x2FFFF;
	_ =	strace $0x9FFFFFFF  }
0x3a: {  	(tm) =	ssettm $0x7FFFFFFF  }
0x3b: {  	_ =	shalt  }
tec
execute0_lowered:
.L_overlay_start_1:
0x0: {  	(tag) =	ssettag $0x1  }
0x1: {  	s0 =	srdreg.scid  }
0x2: {  	s7 =	rddreg [dreg:$0x0];
	s1 =	sshll.u32 s0, $0x4  }
0x3: {  	s3 =	rddreg [dreg:$0x1];
	s0 =	stileid.u32;
	s1 =	sand.u32 $0x10, s1  }
0x4: {  	s6 =	simm.s32 $0x1;
	s31 =	simm.s32 $0x2;
	s1 =	sor.u32 s0, s1  }
0x5: {  	s13 =	simm.s32 $0x0;
	s9 =	simm.s32 $0x4000;
	s2 =	sshll.u32 s1, $0x1  }
0x6: {  	s14 =	simm.s32 $0x0;
	s10 =	simm.s32 $0x0;
	s4 =	ssub.s32 $0x800, s2  }
0x7: {  	s12 =	simm.s32 $0x0;
	s1 =	rddreg [dreg:$0x2];
	s5 =	sand.u32 $0x3E, s4  }
.Ltmp0:
0x8: {  	_ =	strace $0x8000004A;
	p0 =	sne.s32 s5, $0x0;
	(pc) =	sbr.rel .LBB1_1-.Ltmp0, $4  }
0x9: {  	s11 =	smov.u32 s2;
	s8 =	sshrl.u32 s4, $0x6;
	s6 =	simm.s32 @!p0 $0x0  }
0xa: {  	s4 =	sadd.s32 $0x21000, s7;
	s5 =	simm.s32 $0x1;
	s6 =	sadd.s32 s6, s8  }
0xb: {  	s7 =	sadd.s32 $0x29000, s7;
	[sflag:s5] =	ssyncpa.u1 $0x0;
	s6 =	sshll.u32 s6, $0x4  }
0xc: {  	p0 =	por $0x0, $0x0;
	[sflag:s31] =	ssyncpa.u1 $0x0;
	s8 =	sor.u32 $0x1, s6  }
.LBB1_7:
0xd: {  	s15 =	sadd.s32 $0x80, s10  }
0xe: {  	s13 =	sadd.s32 $0x40, s11;
	s17 =	smov.u32 s11;
	p2 =	sgt.s32 s15, $0x7FF  }
0xf: {  	s17 =	smov.u32 @p2 s13  }
0x10: {  	s15 =	simm.s32 @p2 $0x0;
	p2 =	sgt.s32 s17, $0x7FF  }
0x11: {  	s17 =	smov.u32 @p2 s2;
	p2 =	sne.s32 s12, s8  }
.Ltmp1:
0x12: {  	p1 =	slt.u32 s12, $0x2;
	(pc) =	sbr.rel @!p2 .LBB1_8-.Ltmp1, $4  }
0x13: {  	s16 =	simm.s32 @!p1 $0x2  }
0x14: {  	s14 =	smov.u32 s11;
	p0 =	por !p0, !p0;
	_ =	swait.ge @!p1 [sflag:s16], $0x4000  }
0x15: {  	s13 =	smov.u32 s10;
	[sflag:s16] =	ssyncset.done @!p1 $0x0;
	s10 =	smov.u32 s15  }
0x16: {  	s12 =	sadd.s32 $0x1, s12;
	[sflag:s16] =	ssyncadd.s32 @!p1 $0xFFFFC000;
	s11 =	smov.u32 s17  }
.LBB1_1:
0x17: {  	p1 =	sge.u32 s12, s6  }
0x18: {  	s15 =	sxor.u32 @!p1 $0xFFFFFFFF, s12;
	s16 =	sshll.u32 @!p1 s11, $0xF  }
0x19: {  	s17 =	sshll.u32 @!p1 s10, $0x4;
	s19 =	simm.s32 @!p1 $0x40;
	s20 =	simm.s32 @!p1 $0x80  }
0x1a: {  	s15 =	sshll.u32 @!p1 s15, $0xE;
	s17 =	sand.u32 @!p1 $0x7FF0, s17;
	s18 =	sadd.s32 @!p1 s4, s16  }
0x1b: {  	s16 =	sadd.s32 @!p1 s16, s7;
	s15 =	sand.u32 @!p1 $0x4000, s15;
	s18 =	sadd.s32 @!p1 s17, s18  }
0x1c: {  	[tilespmem:s15], [sflag:$0x1] =	stream.strided.gather @!p1 [hbm4b:s18+s19], $0x2000, s20, s19, $0x38;
	[tilespmem:$0x10100] =	vst v63  }
0x1d: {  	s31 =	sadd.s32 $0xFFFFFFFF, s12;
	s16 =	sadd.s32 @!p1 s17, s16;
	s15 =	sor.u32 @!p1 $0x2000, s15  }
0x1e: {  	[tilespmem:s15], [sflag:$0x1] =	stream.strided.gather @!p1 [hbm4b:s16+s19], $0x2000, s20, s19, $0x38;
	[tilespmem:$0x10100] =	vst v63  }
0x1f: {  	p1 =	sge.u32 s31, s6  }
.Ltmp2:
0x20: {  	_ = 	snop;
	(pc) =	sbr.rel @p1 .LBB1_7-.Ltmp2, $1  }
0x21: {  	_ =	sdelay $0x3  }
0x22: {  	s15 =	simm.s32 $0x1;
	s17 =	sand.u32 $0x1, s12  }
0x23: {  	_ =	swait.ge [sflag:s5], $0x4000;
	s15 =	simm.s32 @!p0 $0x0;
	s17 =	smul.u32 $0x10200, s17  }
0x24: {  	p2 =	por $0x1, $0x1;
	[sflag:s5] =	ssyncset.done $0x0;
	s16 =	smul.u32 $0x10200, s15  }
0x25: {  	s18 =	sshll.u32 s15, $0x10;
	[sflag:s5] =	ssyncadd.s32 $0xFFFFC000;
	s30 =	sshrl.u32 s17, $0x2  }
0x26: {  	s31 =	sshrl.u32 s18, $0x2;
	s18 =	simm.s32 $0x0;
	s16 =	sshrl.u32 s16, $0x2  }
0x27: {  	s15 =	sor.u32 $0x8000, s30;
	s17 =	sadd.s32 $0x20, s31;
	s16 =	sor.u32 $0x8000, s16  }
.LBB1_3:
0x28: {  	s19 =	sshll.u32 s18, $0xD  }
0x29: {  	s19 =	sand.u32 $0x3FFFE000, s19  }
0x2a: {  	s21 =	sadd.s32 s19, s17  }
0x2b: {  	s31 =	smul.u32 $0x8100, s18;
	v3 =	vld [tilespmem:s21+$0x10]  }
0x2c: {  	v1 =	vld [tilespmem:s21+$0xFFFFFFF0]  }
0x2d: {  	s18 =	sshra.s32 s31, $0x2;
	v0 =	vld [tilespmem:s21+$0x0]  }
0x2e: {  	s18 =	sadd.s32 s18, s16;
	v2 =	vld [tilespmem:s21+$0xFFFFFFE0]  }
0x2f: {  	s19 =	sadd.s32 $0x0, s18  }
0x30: {  	p1 =	por p2, p2;
	s20 =	simm.s32 $0x4;
	s21 =	sadd.s32 $0x40, s21;
	[tilespmem:s19+$0x1830 ss:$0x81] =	vst.msk $0xffff, v3  }
.LBB1_4:
0x31: {  	v3 =	vld [tilespmem:s21+$0x10];
	p2 =	sne.s32 s20, $0x1FC;
	[tilespmem:s19+$0x810 ss:$0x81] =	vst.msk $0xffff, v1;
	s22 =	smov.u32 s20;
	s20 =	sadd.s32 $0x4, s20  }
.Ltmp3:
0x32: {  	v1 =	vld [tilespmem:s21+$0xFFFFFFF0];
	[tilespmem:s19+$0x1020 ss:$0x81] =	vst.msk $0xffff, v0;
	(pc) =	sbr.rel @p2 .LBB1_4-.Ltmp3, $4  }
0x33: {  	v0 =	vld [tilespmem:s21+$0x0];
	[tilespmem:s19+$0x0 ss:$0x81] =	vst.msk $0xffff, v2  }
0x34: {  	s19 =	sshra.s32 s22, $0x2;
	v2 =	vld [tilespmem:s21+$0xFFFFFFE0]  }
0x35: {  	s19 =	sadd.s32 s19, s18  }
0x36: {  	s21 =	sadd.s32 $0x40, s21;
	[tilespmem:s19+$0x1830 ss:$0x81] =	vst.msk $0xffff, v3  }
.Ltmp4:
0x37: {  	(pc) =	sbr.rel @p1 .LBB1_3-.Ltmp4, $4  }
0x38: {  	_ = 	snop  }
0x39: {  	[tilespmem:s19+$0x810 ss:$0x81] =	vst.msk $0xffff, v1  }
0x3a: {  	[tilespmem:s19+$0x1020 ss:$0x81] =	vst.msk $0xffff, v0  }
0x3b: {  	s18 =	simm.s32 $0x1;
	p2 =	por $0x0, $0x0;
	[tilespmem:s19+$0x0 ss:$0x81] =	vst.msk $0xffff, v2  }
0x3c: {  	s16 =	sshll.u32 s13, $0x3;
	s17 =	sand.u32 $0x78, s13;
	s14 =	sshll.u32 s14, $0xE  }
.Ltmp5:
0x3d: {  	s30 =	sand.u32 $0x3F00, s13;
	s16 =	sand.u32 $0x400, s16;
	(pc) =	sbr.rel .LBB1_7-.Ltmp5, $4  }
0x3e: {  	s31 =	sand.u32 $0x7, s13;
	s14 =	sadd.s32 s3, s14;
	s16 =	sor.u32 s17, s16  }
0x3f: {  	s13 =	sshll.u32 s31, $0x12;
	s14 =	sadd.s32 s30, s14;
	s16 =	sshrl.u32 s16, $0x3  }
0x40: {  	s13 =	sor.u32 $0x400, s13;
	s14 =	sadd.s32 s16, s14  }
0x41: {  	[hbm4b:s14+s13] =	stream.strided.scatter [tilespmem:s15], [sflag:$0x2], $0x4000, s9, s13, $0x20;
	[tilespmem:$0x10100] =	vst v63  }
.LBB1_8:
0x42: {  	_ =	sfence.sel $0x180000  }
0x43: {  	s2 =	simm.s32 $0x1;
	[bflag:$0x0] =	sbarrier.arrive $0xFFFF  }
0x44: {  	s31 =	simm.s32 $0x2;
	[sflag:s2] =	ssyncpa.u1 $0x1  }
0x45: {  	[sflag:s31] =	ssyncpa.u1 $0x1  }
0x46: {  	p0 =	sne.s32 s0, $0x0;
	_ =	strace $0x9000004A  }
0x47: {  	s0 =	sadd.s32 @!p0 $0x100000, s1;
	[bflag:$0x2] =	sbarrier.arrive $0xFFFF  }
0x48: {  	[sflag:s0] =	ssyncadd.tile.s32 @!p0 $0x1;
	_ =	shalt  }
.Lfunc_end1:
_tile_overlayer_lowered:
.L_overlay_start_2:
0x49: {  	(tag) =	ssettag $0x2  }
0x4a: {  	s0 =	rddreg [dreg:$0x0];
	s2 =	stileid.u32  }
0x4b: {  	s1 =	rddreg [dreg:$0x1];
	p0 =	sne.s32 s2, $0x0  }
0x4c: {  	s3 =	rddreg [dreg:$0x2];
	[bflag:$0x3] =	sbarrier.arrive $0xFFFF;
	s2 =	simm.s32 @!p0 $0x1C01  }
0x4d: {  	[timem:s3], [sflag:s2] =	dma.local @!p0 [hbm:s0], s1  }
0x4e: {  	s0 =	simm.s32 @!p0 $0x1  }
0x4f: {  	_ =	swait.ge @!p0 [sflag:s0], s1  }
0x50: {  	s1 =	ssub.s32 @!p0 $0x0, s1;
	[sflag:s0] =	ssyncset.done @!p0 $0x0  }
0x51: {  	[sflag:s0] =	ssyncadd.s32 @!p0 s1  }
0x52: {  	[bflag:$0x3] =	sbarrier.arrive $0xFFFF  }
0x53: {  	_ =	shalt  }

</sc_bundles>
